<compile_context>
chip_gen: v7x
topology: tpu7x:2x2x1
jax: 0.10.2.dev20260603
libtpu: 0.0.44.dev20260713+nightly
codegen_flags: <defaults>
</compile_context>

<pallas_src>
import functools

import jax
import jax.numpy as jnp
from jax import lax
from jax.experimental import pallas as pl
from jax.experimental.pallas import tpu as pltpu
from jax.experimental.pallas import tpu_sc as plsc


def _make_sc_gather(row_words, batch):
    info = plsc.get_sparse_core_info()
    nc, ns = info.num_cores, info.num_subcores
    nw = nc * ns
    b_per_w = batch // nw
    assert batch % (8 * nw) == 0

    mesh = plsc.VectorSubcoreMesh(core_axis_name="c", subcore_axis_name="s")

    @functools.partial(
        pl.kernel,
        mesh=mesh,
        out_type=jax.ShapeDtypeStruct((batch, row_words), jnp.float32),
        scratch_types=[
            pltpu.VMEM((b_per_w,), jnp.int32),
            pltpu.VMEM((b_per_w, row_words), jnp.float32),
            pltpu.SemaphoreType.DMA,
        ],
    )
    def gather_rows(table_hbm, idx_hbm, out_hbm, idx_v, rows_v, sem):
        wid = lax.axis_index("s") * nc + lax.axis_index("c")
        base = wid * b_per_w
        pltpu.sync_copy(idx_hbm.at[pl.ds(base, b_per_w)], idx_v)
        pltpu.async_copy(table_hbm.at[idx_v], rows_v, sem).wait()
        pltpu.sync_copy(rows_v, out_hbm.at[pl.ds(base, b_per_w)])

    return gather_rows


def _proj_body(ut_ref, a_ref, o_ref, *, k, o_dim, dk):
    ut = ut_ref[:]
    utb = jnp.concatenate([ut] * k, axis=1)
    rows = lax.broadcasted_iota(jnp.int32, (dk, k * o_dim), 0)
    cols = lax.broadcasted_iota(jnp.int32, (dk, k * o_dim), 1)
    w = jnp.where((cols // o_dim) == (rows % k), utb, 0.0)
    x = jnp.dot(a_ref[:], w, preferred_element_type=jnp.float32)
    for j in range(k):
        o_ref[j] = x[:, j * o_dim:(j + 1) * o_dim]


def kernel(C, V, U, ii):
    n, d, k = V.shape
    _, o_dim, _ = U.shape
    b = ii.shape[0]
    dk = d * k

    v_flat = V.reshape(n, dk)
    idx = ii.astype(jnp.int32)
    gathered = _make_sc_gather(dk, b)(v_flat, idx)

    ut = U.transpose(2, 0, 1).reshape(dk, o_dim)

    b_blk = 512
    out = pl.pallas_call(
        functools.partial(_proj_body, k=k, o_dim=o_dim, dk=dk),
        grid=(b // b_blk,),
        in_specs=[
            pl.BlockSpec((dk, o_dim), lambda i: (0, 0)),
            pl.BlockSpec((b_blk, dk), lambda i: (i, 0)),
        ],
        out_specs=pl.BlockSpec((k, b_blk, o_dim), lambda i: (0, i, 0)),
        out_shape=jax.ShapeDtypeStruct((k, b, o_dim), jnp.float32),
    )(ut, gathered)
    return out

# --- scband reference (transcript-rebuilt; emitter-appended) ---
"""Pipeline reference for scband-kmanifold-cluster-model-23639499997243 (READ-ONLY COPY).

The authoritative reference and input builder live on the scoring server;
editing this copy changes nothing except your own understanding.
"""

import jax, jax.numpy as jnp
import numpy as np

N, K, D_LAT, B, D_AMB = 100000, 16, 32, 4096, 32


def setup_inputs(seed: int = 0) -> dict:
    key = jax.random.key(seed)
    k1, k2, k3, k4 = jax.random.split(key, 4)
    ii = jax.random.randint(k1, (B,), 0, N)
    # C: assignment coefficients table, init ~ N(1, 0.01), abs, row-normalized
    C = jnp.abs(jax.random.normal(k2, (N, K), dtype=jnp.float32) * 0.01 + 1.0)
    C = C / jnp.sum(C, axis=1, keepdims=True)
    # V: latent coordinates table, std 0.1/sqrt(d)
    V = jax.random.normal(k3, (N, D_LAT, K), dtype=jnp.float32) * (0.1 / np.sqrt(D_LAT))
    # U: per-group linear embedding weights (k group models, each d -> D)
    U = jax.random.normal(k4, (K, D_AMB, D_LAT), dtype=jnp.float32) * 0.05
    return {"C": C, "V": V, "U": U, "ii": ii}


def reference(C, V, U, ii):
    # set_cv(ii): gather minibatch coefficients from full tables (embedding lookup)
    c = jnp.take(C, ii, axis=0)          # [B, k]  (stored into self.c)
    v = jnp.take(V, ii, axis=0)          # [B, d, k] (stored into self.v)
    # forward: x_ = stack([gm(v[:, :, j]) for j, gm in enumerate(group_models)], dim=0)
    # each group model is a linear map U[j]: R^d -> R^D, gm(z) = z @ U[j].T
    x_ = jnp.einsum('bdj,jod->jbo', v, U)  # [k, B, D]
    return x_

if __name__ == "__main__":
    import jax
    _d = setup_inputs()
    print(jax.jit(kernel)(*tuple(_d.values())))

</pallas_src>

<mosaic_0001>
#map = affine_map<(d0, d1) -> (0, 0)>
#map1 = affine_map<(d0, d1) -> (0)>
module attributes {stable_mosaic.version = 14 : i64} {
  func.func @gather_rows(%arg0: i32, %arg1: i32, %arg2: memref<100000x512xf32, #tpu.memory_space<hbm>>, %arg3: memref<4096xi32, #tpu.memory_space<hbm>>, %arg4: memref<4096x512xf32, #tpu.memory_space<hbm>>, %arg5: memref<128xi32, #tpu.memory_space<vmem>>, %arg6: memref<128x512xf32, #tpu.memory_space<vmem>>, %arg7: memref<!tpu.dma_semaphore, #tpu.memory_space<semaphore_mem>>) attributes {dimension_semantics = [#tpu.dimension_semantics<core_parallel>, #tpu.dimension_semantics<subcore_parallel>], iteration_bounds = array<i64: 2, 16>, scalar_prefetch = 0 : i64, scratch_operands = 3 : i64, tpu.core_type = #tpu.core_type<sc_vector_subcore>, window_params = [{transform_indices = #map}, {transform_indices = #map1}, {transform_indices = #map}]} {
    %mul3A = arith.constant 2 : i32
    %mul3A_0 = arith.muli %arg1, %mul3A : i32
    %add3A = arith.addi %mul3A_0, %arg0 : i32
    %mul3A_1 = arith.constant 128 : i32
    %mul3A_2 = arith.muli %add3A, %mul3A_1 : i32
    "tpu.region"() ({
      %run_scoped3A = tpu.sem_alloc : memref<!tpu.dma_semaphore, #tpu.memory_space<semaphore_mem>>
      %dma_start3A_7 = tpu.memref_slice %arg3[%mul3A_2] : memref<4096xi32, #tpu.memory_space<hbm>> -> memref<128xi32, #tpu.memory_space<hbm>>
      %dma_start3A_8 = tpu.memref_slice %arg3[%mul3A_2] : memref<4096xi32, #tpu.memory_space<hbm>> -> memref<128xi32, #tpu.memory_space<hbm>>
      tpu.enqueue_dma source(%dma_start3A_8 : memref<128xi32, #tpu.memory_space<hbm>>) target(%arg5 : memref<128xi32, #tpu.memory_space<vmem>>) target_semaphore(%run_scoped3A : memref<!tpu.dma_semaphore, #tpu.memory_space<semaphore_mem>>)
      %dma_wait3A_9 = tpu.memref_slice %arg3[%mul3A_2] : memref<4096xi32, #tpu.memory_space<hbm>> -> memref<128xi32, #tpu.memory_space<hbm>>
      %dma_wait3A_10 = tpu.memref_slice %arg3[%mul3A_2] : memref<4096xi32, #tpu.memory_space<hbm>> -> memref<128xi32, #tpu.memory_space<hbm>>
      tpu.wait_dma2 semaphore(%run_scoped3A : memref<!tpu.dma_semaphore, #tpu.memory_space<semaphore_mem>>) src(%dma_wait3A_10 : memref<128xi32, #tpu.memory_space<hbm>>) dst(%arg5 : memref<128xi32, #tpu.memory_space<vmem>>)
      tpu.yield
    }) : () -> ()
    %dma_start3A = arith.constant 0 : i32
    %dma_start3A_3 = arith.constant 0 : i32
    %dma_start3A_4 = tpu.memref_slice %arg2[%dma_start3A, %dma_start3A_3] : memref<100000x512xf32, #tpu.memory_space<hbm>> -> memref<100000x512xf32, #tpu.memory_space<hbm>>
    tpu.enqueue_indirect_dma source(%dma_start3A_4 : memref<100000x512xf32, #tpu.memory_space<hbm>>) target(%arg6 : memref<128x512xf32, #tpu.memory_space<vmem>>) offsets(%arg5 : memref<128xi32, #tpu.memory_space<vmem>>) semaphore(%arg7 : memref<!tpu.dma_semaphore, #tpu.memory_space<semaphore_mem>>)
    %dma_wait3A = arith.constant 0 : i32
    %dma_wait3A_5 = arith.constant 0 : i32
    %dma_wait3A_6 = tpu.memref_slice %arg2[%dma_wait3A, %dma_wait3A_5] : memref<100000x512xf32, #tpu.memory_space<hbm>> -> memref<100000x512xf32, #tpu.memory_space<hbm>>
    tpu.wait_indirect_dma semaphore(%arg7 : memref<!tpu.dma_semaphore, #tpu.memory_space<semaphore_mem>>) src(%dma_wait3A_6 : memref<100000x512xf32, #tpu.memory_space<hbm>>) dst(%arg6 : memref<128x512xf32, #tpu.memory_space<vmem>>)
    "tpu.region"() ({
      %run_scoped3A = tpu.sem_alloc : memref<!tpu.dma_semaphore, #tpu.memory_space<semaphore_mem>>
      %dma_start3A_7 = arith.constant 0 : i32
      %dma_start3A_8 = tpu.memref_slice %arg4[%mul3A_2, %dma_start3A_7] : memref<4096x512xf32, #tpu.memory_space<hbm>> -> memref<128x512xf32, #tpu.memory_space<hbm>>
      %dma_start3A_9 = arith.constant 0 : i32
      %dma_start3A_10 = tpu.memref_slice %arg4[%mul3A_2, %dma_start3A_9] : memref<4096x512xf32, #tpu.memory_space<hbm>> -> memref<128x512xf32, #tpu.memory_space<hbm>>
      tpu.enqueue_dma source(%arg6 : memref<128x512xf32, #tpu.memory_space<vmem>>) target(%dma_start3A_10 : memref<128x512xf32, #tpu.memory_space<hbm>>) target_semaphore(%run_scoped3A : memref<!tpu.dma_semaphore, #tpu.memory_space<semaphore_mem>>)
      %dma_wait3A_11 = arith.constant 0 : i32
      %dma_wait3A_12 = tpu.memref_slice %arg4[%mul3A_2, %dma_wait3A_11] : memref<4096x512xf32, #tpu.memory_space<hbm>> -> memref<128x512xf32, #tpu.memory_space<hbm>>
      %dma_wait3A_13 = arith.constant 0 : i32
      %dma_wait3A_14 = tpu.memref_slice %arg4[%mul3A_2, %dma_wait3A_13] : memref<4096x512xf32, #tpu.memory_space<hbm>> -> memref<128x512xf32, #tpu.memory_space<hbm>>
      tpu.wait_dma2 semaphore(%run_scoped3A : memref<!tpu.dma_semaphore, #tpu.memory_space<semaphore_mem>>) src(%arg6 : memref<128x512xf32, #tpu.memory_space<vmem>>) dst(%dma_wait3A_14 : memref<128x512xf32, #tpu.memory_space<hbm>>)
      tpu.yield
    }) : () -> ()
    return
  }
}

module attributes {stable_mosaic.version = 14 : i64} {
  func.func @_proj_body(%arg0: i32, %arg1: memref<512x32xf32, #tpu.memory_space<vmem>>, %arg2: memref<512x512xf32, #tpu.memory_space<vmem>>, %arg3: memref<16x512x32xf32, #tpu.memory_space<vmem>>) attributes {dimension_semantics = [#tpu.dimension_semantics<arbitrary>], iteration_bounds = array<i64: 8>, scalar_prefetch = 0 : i64, scratch_operands = 0 : i64, tpu.core_type = #tpu.core_type<tc>, window_params = [{pipeline_mode = #tpu.pipeline_mode<synchronous>, transform_indices = @transform_0, window_bounds = array<i64: 512, 32>}, {transform_indices = @transform_1, window_bounds = array<i64: 512, 512>}, {transform_indices = @transform_2, window_bounds = array<i64: 16, 512, 32>}]} {
    %get3A = arith.constant 0 : index
    %get3A_0 = arith.constant 0 : index
    %get3A_1 = vector.load %arg1[%get3A, %get3A_0] : memref<512x32xf32, #tpu.memory_space<vmem>>, vector<512x32xf32>
    %concatenate3A = tpu.concatenate %get3A_1, %get3A_1, %get3A_1, %get3A_1, %get3A_1, %get3A_1, %get3A_1, %get3A_1, %get3A_1, %get3A_1, %get3A_1, %get3A_1, %get3A_1, %get3A_1, %get3A_1, %get3A_1 in 1 : vector<512x32xf32>, vector<512x32xf32>, vector<512x32xf32>, vector<512x32xf32>, vector<512x32xf32>, vector<512x32xf32>, vector<512x32xf32>, vector<512x32xf32>, vector<512x32xf32>, vector<512x32xf32>, vector<512x32xf32>, vector<512x32xf32>, vector<512x32xf32>, vector<512x32xf32>, vector<512x32xf32>, vector<512x32xf32> -> vector<512x512xf32>
    %iota3A = tpu.iota {dimensions = array<i32: 0>} : vector<512x512xi32>
    %iota3A_2 = tpu.iota {dimensions = array<i32: 1>} : vector<512x512xi32>
    %jit3A = arith.constant 32 : i32
    %div3A = vector.broadcast %jit3A : i32 to vector<512x512xi32>
    %div3A_3 = arith.divsi %iota3A_2, %div3A : vector<512x512xi32>
    %sign3A = arith.constant 0 : i32
    %sign3A_4 = vector.broadcast %sign3A : i32 to vector<512x512xi32>
    %sign3A_5 = arith.cmpi sgt, %iota3A_2, %sign3A_4 : vector<512x512xi32>
    %sign3A_6 = arith.extui %sign3A_5 : vector<512x512xi1> to vector<512x512xi32>
    %sign3A_7 = arith.constant 0 : i32
    %sign3A_8 = vector.broadcast %sign3A_7 : i32 to vector<512x512xi32>
    %sign3A_9 = arith.cmpi slt, %iota3A_2, %sign3A_8 : vector<512x512xi32>
    %sign3A_10 = arith.extui %sign3A_9 : vector<512x512xi1> to vector<512x512xi32>
    %sign3A_11 = arith.subi %sign3A_6, %sign3A_10 : vector<512x512xi32>
    %sign3A_12 = arith.constant 0 : i32
    %sign3A_13 = arith.cmpi sgt, %jit3A, %sign3A_12 : i32
    %sign3A_14 = arith.extui %sign3A_13 : i1 to i32
    %sign3A_15 = arith.constant 0 : i32
    %sign3A_16 = arith.cmpi slt, %jit3A, %sign3A_15 : i32
    %sign3A_17 = arith.extui %sign3A_16 : i1 to i32
    %sign3A_18 = arith.subi %sign3A_14, %sign3A_17 : i32
    %ne3A = vector.broadcast %sign3A_18 : i32 to vector<512x512xi32>
    %ne3A_19 = arith.cmpi ne, %sign3A_11, %ne3A : vector<512x512xi32>
    %rem3A = vector.broadcast %jit3A : i32 to vector<512x512xi32>
    %rem3A_20 = arith.remsi %iota3A_2, %rem3A : vector<512x512xi32>
    %ne3A_21 = arith.constant 0 : i32
    %ne3A_22 = vector.broadcast %ne3A_21 : i32 to vector<512x512xi32>
    %ne3A_23 = arith.cmpi ne, %rem3A_20, %ne3A_22 : vector<512x512xi32>
    %and3A = arith.andi %ne3A_19, %ne3A_23 : vector<512x512xi1>
    %sub3A = arith.constant 1 : i32
    %sub3A_24 = vector.broadcast %sub3A : i32 to vector<512x512xi32>
    %sub3A_25 = arith.subi %div3A_3, %sub3A_24 : vector<512x512xi32>
    %select_n3A = arith.select %and3A, %sub3A_25, %div3A_3 : vector<512x512xi1>, vector<512x512xi32>
    %jit3A_26 = arith.constant 16 : i32
    %eq3A = arith.constant 0 : i32
    %eq3A_27 = arith.cmpi eq, %jit3A_26, %eq3A : i32
    %jit3A_28 = arith.constant 1 : i32
    %select_n3A_29 = arith.select %eq3A_27, %jit3A_28, %jit3A_26 : i32
    %rem3A_30 = vector.broadcast %select_n3A_29 : i32 to vector<512x512xi32>
    %rem3A_31 = arith.remsi %iota3A, %rem3A_30 : vector<512x512xi32>
    %ne3A_32 = arith.constant 0 : i32
    %ne3A_33 = vector.broadcast %ne3A_32 : i32 to vector<512x512xi32>
    %ne3A_34 = arith.cmpi ne, %rem3A_31, %ne3A_33 : vector<512x512xi32>
    %lt3A = arith.constant 0 : i32
    %lt3A_35 = vector.broadcast %lt3A : i32 to vector<512x512xi32>
    %lt3A_36 = arith.cmpi slt, %rem3A_31, %lt3A_35 : vector<512x512xi32>
    %lt3A_37 = arith.constant 0 : i32
    %lt3A_38 = arith.cmpi slt, %select_n3A_29, %lt3A_37 : i32
    %ne3A_39 = vector.broadcast %lt3A_38 : i1 to vector<512x512xi1>
    %ne3A_40 = vector.broadcast %ne3A_39 : vector<512x512xi1> to vector<512x512xi1>
    %ne3A_41 = arith.xori %lt3A_36, %ne3A_40 : vector<512x512xi1>
    %and3A_42 = arith.andi %ne3A_41, %ne3A_34 : vector<512x512xi1>
    %add3A = vector.broadcast %select_n3A_29 : i32 to vector<512x512xi32>
    %add3A_43 = arith.addi %rem3A_31, %add3A : vector<512x512xi32>
    %select_n3A_44 = arith.select %and3A_42, %add3A_43, %rem3A_31 : vector<512x512xi1>, vector<512x512xi32>
    %eq3A_45 = arith.cmpi eq, %select_n3A, %select_n3A_44 : vector<512x512xi32>
    %jit3A_46 = arith.constant 0.000000e+00 : f32
    %broadcast_in_dim3A = vector.broadcast %jit3A_46 : f32 to vector<512x512xf32>
    %select_n3A_47 = arith.select %eq3A_45, %concatenate3A, %broadcast_in_dim3A : vector<512x512xi1>, vector<512x512xf32>
    %get3A_48 = arith.constant 0 : index
    %get3A_49 = arith.constant 0 : index
    %get3A_50 = vector.load %arg2[%get3A_48, %get3A_49] : memref<512x512xf32, #tpu.memory_space<vmem>>, vector<512x512xf32>
    %dot_general3A = arith.constant dense<0.000000e+00> : vector<512x512xf32>
    %dot_general3A_51 = tpu.matmul %get3A_50, %select_n3A_47, %dot_general3A {dimension_numbers = #tpu.dot_dimension_numbers<[1], [0], [0], [1], [0, 0, 1, 1], [], []>, transpose_lhs_hint = false} : vector<512x512xf32>, vector<512x512xf32>, vector<512x512xf32> -> vector<512x512xf32>
    %slice3A = vector.extract_strided_slice %dot_general3A_51 {offsets = [0, 0], sizes = [512, 32], strides = [1, 1]} : vector<512x512xf32> to vector<512x32xf32>
    %swap3A = arith.constant 0 : index
    %swap3A_52 = arith.constant 0 : index
    %swap3A_53 = arith.constant 0 : index
    %swap3A_54 = vector.load %arg3[%swap3A, %swap3A_52, %swap3A_53] : memref<16x512x32xf32, #tpu.memory_space<vmem>>, vector<1x512x32xf32>
    %swap3A_55 = vector.shape_cast %swap3A_54 : vector<1x512x32xf32> to vector<512x32xf32>
    %swap3A_56 = vector.shape_cast %slice3A : vector<512x32xf32> to vector<1x512x32xf32>
    tpu.vector_store %arg3[%swap3A, %swap3A_52, %swap3A_53], %swap3A_56 {strides = array<i32>} : memref<16x512x32xf32, #tpu.memory_space<vmem>>, vector<1x512x32xf32>,
    %slice3A_57 = vector.extract_strided_slice %dot_general3A_51 {offsets = [0, 32], sizes = [512, 32], strides = [1, 1]} : vector<512x512xf32> to vector<512x32xf32>
    %swap3A_58 = arith.constant 1 : index
    %swap3A_59 = arith.constant 0 : index
    %swap3A_60 = arith.constant 0 : index
    %swap3A_61 = vector.load %arg3[%swap3A_58, %swap3A_59, %swap3A_60] : memref<16x512x32xf32, #tpu.memory_space<vmem>>, vector<1x512x32xf32>
    %swap3A_62 = vector.shape_cast %swap3A_61 : vector<1x512x32xf32> to vector<512x32xf32>
    %swap3A_63 = vector.shape_cast %slice3A_57 : vector<512x32xf32> to vector<1x512x32xf32>
    tpu.vector_store %arg3[%swap3A_58, %swap3A_59, %swap3A_60], %swap3A_63 {strides = array<i32>} : memref<16x512x32xf32, #tpu.memory_space<vmem>>, vector<1x512x32xf32>,
    %slice3A_64 = vector.extract_strided_slice %dot_general3A_51 {offsets = [0, 64], sizes = [512, 32], strides = [1, 1]} : vector<512x512xf32> to vector<512x32xf32>
    %swap3A_65 = arith.constant 2 : index
    %swap3A_66 = arith.constant 0 : index
    %swap3A_67 = arith.constant 0 : index
    %swap3A_68 = vector.load %arg3[%swap3A_65, %swap3A_66, %swap3A_67] : memref<16x512x32xf32, #tpu.memory_space<vmem>>, vector<1x512x32xf32>
    %swap3A_69 = vector.shape_cast %swap3A_68 : vector<1x512x32xf32> to vector<512x32xf32>
    %swap3A_70 = vector.shape_cast %slice3A_64 : vector<512x32xf32> to vector<1x512x32xf32>
    tpu.vector_store %arg3[%swap3A_65, %swap3A_66, %swap3A_67], %swap3A_70 {strides = array<i32>} : memref<16x512x32xf32, #tpu.memory_space<vmem>>, vector<1x512x32xf32>,
    %slice3A_71 = vector.extract_strided_slice %dot_general3A_51 {offsets = [0, 96], sizes = [512, 32], strides = [1, 1]} : vector<512x512xf32> to vector<512x32xf32>
    %swap3A_72 = arith.constant 3 : index
    %swap3A_73 = arith.constant 0 : index
    %swap3A_74 = arith.constant 0 : index
    %swap3A_75 = vector.load %arg3[%swap3A_72, %swap3A_73, %swap3A_74] : memref<16x512x32xf32, #tpu.memory_space<vmem>>, vector<1x512x32xf32>
    %swap3A_76 = vector.shape_cast %swap3A_75 : vector<1x512x32xf32> to vector<512x32xf32>
    %swap3A_77 = vector.shape_cast %slice3A_71 : vector<512x32xf32> to vector<1x512x32xf32>
    tpu.vector_store %arg3[%swap3A_72, %swap3A_73, %swap3A_74], %swap3A_77 {strides = array<i32>} : memref<16x512x32xf32, #tpu.memory_space<vmem>>, vector<1x512x32xf32>,
    %slice3A_78 = vector.extract_strided_slice %dot_general3A_51 {offsets = [0, 128], sizes = [512, 32], strides = [1, 1]} : vector<512x512xf32> to vector<512x32xf32>
    %swap3A_79 = arith.constant 4 : index
    %swap3A_80 = arith.constant 0 : index
    %swap3A_81 = arith.constant 0 : index
    %swap3A_82 = vector.load %arg3[%swap3A_79, %swap3A_80, %swap3A_81] : memref<16x512x32xf32, #tpu.memory_space<vmem>>, vector<1x512x32xf32>
    %swap3A_83 = vector.shape_cast %swap3A_82 : vector<1x512x32xf32> to vector<512x32xf32>
    %swap3A_84 = vector.shape_cast %slice3A_78 : vector<512x32xf32> to vector<1x512x32xf32>
    tpu.vector_store %arg3[%swap3A_79, %swap3A_80, %swap3A_81], %swap3A_84 {strides = array<i32>} : memref<16x512x32xf32, #tpu.memory_space<vmem>>, vector<1x512x32xf32>,
    %slice3A_85 = vector.extract_strided_slice %dot_general3A_51 {offsets = [0, 160], sizes = [512, 32], strides = [1, 1]} : vector<512x512xf32> to vector<512x32xf32>
    %swap3A_86 = arith.constant 5 : index
    %swap3A_87 = arith.constant 0 : index
    %swap3A_88 = arith.constant 0 : index
    %swap3A_89 = vector.load %arg3[%swap3A_86, %swap3A_87, %swap3A_88] : memref<16x512x32xf32, #tpu.memory_space<vmem>>, vector<1x512x32xf32>
    %swap3A_90 = vector.shape_cast %swap3A_89 : vector<1x512x32xf32> to vector<512x32xf32>
    %swap3A_91 = vector.shape_cast %slice3A_85 : vector<512x32xf32> to vector<1x512x32xf32>
    tpu.vector_store %arg3[%swap3A_86, %swap3A_87, %swap3A_88], %swap3A_91 {strides = array<i32>} : memref<16x512x32xf32, #tpu.memory_space<vmem>>, vector<1x512x32xf32>,
    %slice3A_92 = vector.extract_strided_slice %dot_general3A_51 {offsets = [0, 192], sizes = [512, 32], strides = [1, 1]} : vector<512x512xf32> to vector<512x32xf32>
    %swap3A_93 = arith.constant 6 : index
    %swap3A_94 = arith.constant 0 : index
    %swap3A_95 = arith.constant 0 : index
    %swap3A_96 = vector.load %arg3[%swap3A_93, %swap3A_94, %swap3A_95] : memref<16x512x32xf32, #tpu.memory_space<vmem>>, vector<1x512x32xf32>
    %swap3A_97 = vector.shape_cast %swap3A_96 : vector<1x512x32xf32> to vector<512x32xf32>
    %swap3A_98 = vector.shape_cast %slice3A_92 : vector<512x32xf32> to vector<1x512x32xf32>
    tpu.vector_store %arg3[%swap3A_93, %swap3A_94, %swap3A_95], %swap3A_98 {strides = array<i32>} : memref<16x512x32xf32, #tpu.memory_space<vmem>>, vector<1x512x32xf32>,
    %slice3A_99 = vector.extract_strided_slice %dot_general3A_51 {offsets = [0, 224], sizes = [512, 32], strides = [1, 1]} : vector<512x512xf32> to vector<512x32xf32>
    %swap3A_100 = arith.constant 7 : index
    %swap3A_101 = arith.constant 0 : index
    %swap3A_102 = arith.constant 0 : index
    %swap3A_103 = vector.load %arg3[%swap3A_100, %swap3A_101, %swap3A_102] : memref<16x512x32xf32, #tpu.memory_space<vmem>>, vector<1x512x32xf32>
    %swap3A_104 = vector.shape_cast %swap3A_103 : vector<1x512x32xf32> to vector<512x32xf32>
    %swap3A_105 = vector.shape_cast %slice3A_99 : vector<512x32xf32> to vector<1x512x32xf32>
    tpu.vector_store %arg3[%swap3A_100, %swap3A_101, %swap3A_102], %swap3A_105 {strides = array<i32>} : memref<16x512x32xf32, #tpu.memory_space<vmem>>, vector<1x512x32xf32>,
    %slice3A_106 = vector.extract_strided_slice %dot_general3A_51 {offsets = [0, 256], sizes = [512, 32], strides = [1, 1]} : vector<512x512xf32> to vector<512x32xf32>
    %swap3A_107 = arith.constant 8 : index
    %swap3A_108 = arith.constant 0 : index
    %swap3A_109 = arith.constant 0 : index
    %swap3A_110 = vector.load %arg3[%swap3A_107, %swap3A_108, %swap3A_109] : memref<16x512x32xf32, #tpu.memory_space<vmem>>, vector<1x512x32xf32>
    %swap3A_111 = vector.shape_cast %swap3A_110 : vector<1x512x32xf32> to vector<512x32xf32>
    %swap3A_112 = vector.shape_cast %slice3A_106 : vector<512x32xf32> to vector<1x512x32xf32>
    tpu.vector_store %arg3[%swap3A_107, %swap3A_108, %swap3A_109], %swap3A_112 {strides = array<i32>} : memref<16x512x32xf32, #tpu.memory_space<vmem>>, vector<1x512x32xf32>,
    %slice3A_113 = vector.extract_strided_slice %dot_general3A_51 {offsets = [0, 288], sizes = [512, 32], strides = [1, 1]} : vector<512x512xf32> to vector<512x32xf32>
    %swap3A_114 = arith.constant 9 : index
    %swap3A_115 = arith.constant 0 : index
    %swap3A_116 = arith.constant 0 : index
    %swap3A_117 = vector.load %arg3[%swap3A_114, %swap3A_115, %swap3A_116] : memref<16x512x32xf32, #tpu.memory_space<vmem>>, vector<1x512x32xf32>
    %swap3A_118 = vector.shape_cast %swap3A_117 : vector<1x512x32xf32> to vector<512x32xf32>
    %swap3A_119 = vector.shape_cast %slice3A_113 : vector<512x32xf32> to vector<1x512x32xf32>
    tpu.vector_store %arg3[%swap3A_114, %swap3A_115, %swap3A_116], %swap3A_119 {strides = array<i32>} : memref<16x512x32xf32, #tpu.memory_space<vmem>>, vector<1x512x32xf32>,
    %slice3A_120 = vector.extract_strided_slice %dot_general3A_51 {offsets = [0, 320], sizes = [512, 32], strides = [1, 1]} : vector<512x512xf32> to vector<512x32xf32>
    %swap3A_121 = arith.constant 10 : index
    %swap3A_122 = arith.constant 0 : index
    %swap3A_123 = arith.constant 0 : index
    %swap3A_124 = vector.load %arg3[%swap3A_121, %swap3A_122, %swap3A_123] : memref<16x512x32xf32, #tpu.memory_space<vmem>>, vector<1x512x32xf32>
    %swap3A_125 = vector.shape_cast %swap3A_124 : vector<1x512x32xf32> to vector<512x32xf32>
    %swap3A_126 = vector.shape_cast %slice3A_120 : vector<512x32xf32> to vector<1x512x32xf32>
    tpu.vector_store %arg3[%swap3A_121, %swap3A_122, %swap3A_123], %swap3A_126 {strides = array<i32>} : memref<16x512x32xf32, #tpu.memory_space<vmem>>, vector<1x512x32xf32>,
    %slice3A_127 = vector.extract_strided_slice %dot_general3A_51 {offsets = [0, 352], sizes = [512, 32], strides = [1, 1]} : vector<512x512xf32> to vector<512x32xf32>
    %swap3A_128 = arith.constant 11 : index
    %swap3A_129 = arith.constant 0 : index
    %swap3A_130 = arith.constant 0 : index
    %swap3A_131 = vector.load %arg3[%swap3A_128, %swap3A_129, %swap3A_130] : memref<16x512x32xf32, #tpu.memory_space<vmem>>, vector<1x512x32xf32>
    %swap3A_132 = vector.shape_cast %swap3A_131 : vector<1x512x32xf32> to vector<512x32xf32>
    %swap3A_133 = vector.shape_cast %slice3A_127 : vector<512x32xf32> to vector<1x512x32xf32>
    tpu.vector_store %arg3[%swap3A_128, %swap3A_129, %swap3A_130], %swap3A_133 {strides = array<i32>} : memref<16x512x32xf32, #tpu.memory_space<vmem>>, vector<1x512x32xf32>,
    %slice3A_134 = vector.extract_strided_slice %dot_general3A_51 {offsets = [0, 384], sizes = [512, 32], strides = [1, 1]} : vector<512x512xf32> to vector<512x32xf32>
    %swap3A_135 = arith.constant 12 : index
    %swap3A_136 = arith.constant 0 : index
    %swap3A_137 = arith.constant 0 : index
    %swap3A_138 = vector.load %arg3[%swap3A_135, %swap3A_136, %swap3A_137] : memref<16x512x32xf32, #tpu.memory_space<vmem>>, vector<1x512x32xf32>
    %swap3A_139 = vector.shape_cast %swap3A_138 : vector<1x512x32xf32> to vector<512x32xf32>
    %swap3A_140 = vector.shape_cast %slice3A_134 : vector<512x32xf32> to vector<1x512x32xf32>
    tpu.vector_store %arg3[%swap3A_135, %swap3A_136, %swap3A_137], %swap3A_140 {strides = array<i32>} : memref<16x512x32xf32, #tpu.memory_space<vmem>>, vector<1x512x32xf32>,
    %slice3A_141 = vector.extract_strided_slice %dot_general3A_51 {offsets = [0, 416], sizes = [512, 32], strides = [1, 1]} : vector<512x512xf32> to vector<512x32xf32>
    %swap3A_142 = arith.constant 13 : index
    %swap3A_143 = arith.constant 0 : index
    %swap3A_144 = arith.constant 0 : index
    %swap3A_145 = vector.load %arg3[%swap3A_142, %swap3A_143, %swap3A_144] : memref<16x512x32xf32, #tpu.memory_space<vmem>>, vector<1x512x32xf32>
    %swap3A_146 = vector.shape_cast %swap3A_145 : vector<1x512x32xf32> to vector<512x32xf32>
    %swap3A_147 = vector.shape_cast %slice3A_141 : vector<512x32xf32> to vector<1x512x32xf32>
    tpu.vector_store %arg3[%swap3A_142, %swap3A_143, %swap3A_144], %swap3A_147 {strides = array<i32>} : memref<16x512x32xf32, #tpu.memory_space<vmem>>, vector<1x512x32xf32>,
    %slice3A_148 = vector.extract_strided_slice %dot_general3A_51 {offsets = [0, 448], sizes = [512, 32], strides = [1, 1]} : vector<512x512xf32> to vector<512x32xf32>
    %swap3A_149 = arith.constant 14 : index
    %swap3A_150 = arith.constant 0 : index
    %swap3A_151 = arith.constant 0 : index
    %swap3A_152 = vector.load %arg3[%swap3A_149, %swap3A_150, %swap3A_151] : memref<16x512x32xf32, #tpu.memory_space<vmem>>, vector<1x512x32xf32>
    %swap3A_153 = vector.shape_cast %swap3A_152 : vector<1x512x32xf32> to vector<512x32xf32>
    %swap3A_154 = vector.shape_cast %slice3A_148 : vector<512x32xf32> to vector<1x512x32xf32>
    tpu.vector_store %arg3[%swap3A_149, %swap3A_150, %swap3A_151], %swap3A_154 {strides = array<i32>} : memref<16x512x32xf32, #tpu.memory_space<vmem>>, vector<1x512x32xf32>,
    %slice3A_155 = vector.extract_strided_slice %dot_general3A_51 {offsets = [0, 480], sizes = [512, 32], strides = [1, 1]} : vector<512x512xf32> to vector<512x32xf32>
    %swap3A_156 = arith.constant 15 : index
    %swap3A_157 = arith.constant 0 : index
    %swap3A_158 = arith.constant 0 : index
    %swap3A_159 = vector.load %arg3[%swap3A_156, %swap3A_157, %swap3A_158] : memref<16x512x32xf32, #tpu.memory_space<vmem>>, vector<1x512x32xf32>
    %swap3A_160 = vector.shape_cast %swap3A_159 : vector<1x512x32xf32> to vector<512x32xf32>
    %swap3A_161 = vector.shape_cast %slice3A_155 : vector<512x32xf32> to vector<1x512x32xf32>
    tpu.vector_store %arg3[%swap3A_156, %swap3A_157, %swap3A_158], %swap3A_161 {strides = array<i32>} : memref<16x512x32xf32, #tpu.memory_space<vmem>>, vector<1x512x32xf32>,
    return
  }
  func.func @transform_0(%arg0: i32) -> (i32, i32) {
    %c0_i32 = arith.constant 0 : i32
    %c0_i32_0 = arith.constant 0 : i32
    %c0_i32_1 = arith.constant 0 : i32
    return %c0_i32, %c0_i32_0 : i32, i32
  }
  func.func @transform_1(%arg0: i32) -> (i32, i32) {
    %c0_i32 = arith.constant 0 : i32
    %c0_i32_0 = arith.constant 0 : i32
    return %arg0, %c0_i32 : i32, i32
  }
  func.func @transform_2(%arg0: i32) -> (i32, i32, i32) {
    %c0_i32 = arith.constant 0 : i32
    %c0_i32_0 = arith.constant 0 : i32
    %c0_i32_1 = arith.constant 0 : i32
    return %c0_i32, %arg0, %c0_i32_0 : i32, i32, i32
  }
}

</mosaic_0001>

<sc_bundles>
// kernel: kernel.4.cloned.1.call-start
scs
__scs_entry_jumppad:
0x0: {  	(pc) =	sbr.rel $0x88, $3  }
0x1: {  	(tag) =	ssettag $0x0;
	lr =	simm.s32 $0x1  }
0x2: {  	[smem:$0x3F9E] =	sst lr;
	_ =	strace $0xD0000000  }
0x3: {  	_ = 	snop  }
0x4: {  	_ = 	snop  }
0x5: {  	_ = 	snop  }
0x6: {  	_ = 	snop  }
0x7: {  	_ = 	snop  }
__scs_overlays_trampoline_lowered:
0x8: {  	[smem:$0x3FAD] =	sst s0  }
0x9: {  	[smem:$0x3FAE] =	sst s1  }
0xa: {  	[smem:$0x3FAF] =	sst s2  }
0xb: {  	[smem:$0x3FB0] =	sst s3  }
0xc: {  	[smem:$0x3FB1] =	sst s4  }
0xd: {  	[smem:$0x3FB2] =	sst s5  }
0xe: {  	[smem:$0x3FB3] =	sst s6  }
0xf: {  	[smem:$0x3FB4] =	sst s7  }
0x10: {  	[smem:$0x3FB5] =	sst s8  }
0x11: {  	[smem:$0x3FB6] =	sst s9;
	s0 =	simm.s32 @!p0 $0x0  }
0x12: {  	s1 =	sld [smem:$0x3F9C];
	s0 =	simm.s32 @p0 $0x1  }
0x13: {  	[smem:$0x3FB7] =	sst s0;
	s0 =	simm.s32 @!p1 $0x0  }
0x14: {  	s2 =	sld [smem:$0x3F9B];
	s0 =	simm.s32 @p1 $0x1  }
0x15: {  	[smem:$0x3FB8] =	sst s0;
	s0 =	simm.s32 @!p2 $0x0  }
0x16: {  	s3 =	sld [smem:$0x3FDB];
	s0 =	simm.s32 @p2 $0x1  }
0x17: {  	s4 =	simm.s32 $0x1BF5;
	[smem:$0x3FBA] =	sst s0  }
0x18: {  	s0 =	sld [smem:$0x3F9D];
	_ =	swait.ge [sflag:s4], $0x0  }
0x19: {  	s7 =	sld [smem:$0x3F9E]  }
0x1a: {  	s8 =	sadd.s32 $0xFFFFE003, lr  }
0x1b: {  	s9 =	sadd.s32 $0xFFFFFEF7, lr;
	s5 =	simm.s32 $0xFFFFFFFF;
	p2 =	slt.u32 s8, $0xFFFFF086  }
0x1c: {  	p1 =	slt.u32 s9, $0xF7A;
	s5 =	simm.s32 @!p2 $0x0  }
0x1d: {  	s5 =	simm.s32 @p1 $0x1;
	p0 =	seq.s32 s7, s2  }
0x1e: {  	s7 =	smul.u32 @!p0 $0xF7A, s2;
	p2 =	seq.s32 @!p0 s5, $0x0  }
0x1f: {  	s9 =	smul.u32 $0xF7A, s1;
	s8 =	simm.s32 @!p0 $0x1BF5;
	p2 =	por !p2, p0  }
0x20: {  	[sflag:s8] =	ssyncset.s32 @!p0 $0xFFFFF086;
	s6 =	sadd.s32 @!p0 s3, s7;
	s7 =	simm.s32 @!p0 $0x108  }
0x21: {  	s3 =	sadd.s32 s3, s9;
	s6 =	sadd.s32 @!p0 $0x88, s6;
	s7 =	simm.s32 @p2 $0x1082  }
0x22: {  	[simem:s7], [sflag:s8] =	dma.local @!p0 [hbm:s6], $0xF7A  }
0x23: {  	s9 =	sor.u32 $0xD0000000, s2;
	s6 =	simm.s32 $0x108;
	_ =	swait.ge @!p0 [sflag:s8], $0x0  }
0x24: {  	s3 =	sadd.s32 $0x88, s3;
	s6 =	simm.s32 @!p1 $0x1082;
	[sflag:s4] =	ssyncset.s32 $0xFFFFF086  }
0x25: {  	[simem:s6], [sflag:s4] =	dma.local [hbm:s3], $0xF7A  }
0x26: {  	[smem:$0x3F9E] =	sst s1;
	(tag) =	ssettag s2;
	_ =	strace s9  }
0x27: {  	s1 =	sld [smem:$0x3FAE]  }
0x28: {  	s2 =	sld [smem:$0x3FAF]  }
0x29: {  	s4 =	sld [smem:$0x3FB1]  }
0x2a: {  	p0 =	seq.s32 s5, $0x0;
	s5 =	sld [smem:$0x3FB2]  }
0x2b: {  	s6 =	sld [smem:$0x3FB3]  }
0x2c: {  	s7 =	sld [smem:$0x3FB4]  }
0x2d: {  	s3 =	simm.s32 $0x108;
	s8 =	sld [smem:$0x3FB5]  }
0x2e: {  	s3 =	simm.s32 @!p0 $0x1082;
	s9 =	sld [smem:$0x3FB6]  }
0x2f: {  	lr =	sadd.s32 s0, s3;
	s0 =	sld [smem:$0x3FAD]  }
0x30: {  	s3 =	sld [smem:$0x3FB0]  }
0x31: {  	[smem:$0x3FB9] =	sst s10  }
0x32: {  	s10 =	sld [smem:$0x3FB7];
	_ =	sdelay $0x3  }
0x33: {  	p0 =	seq.s32 s10, $0x1;
	s10 =	sld [smem:$0x3FB9];
	_ =	sdelay $0x3  }
0x34: {  	[smem:$0x3FB9] =	sst s10  }
0x35: {  	s10 =	sld [smem:$0x3FB8];
	_ =	sdelay $0x3  }
0x36: {  	p1 =	seq.s32 s10, $0x1;
	s10 =	sld [smem:$0x3FB9];
	_ =	sdelay $0x3  }
0x37: {  	[smem:$0x3FB9] =	sst s10  }
0x38: {  	s10 =	sld [smem:$0x3FBA]  }
0x39: {  	_ = 	snop;
	(pc) =	sbr.ind lr, $3  }
0x3a: {  	_ = 	snop  }
0x3b: {  	_ = 	snop  }
0x3c: {  	p2 =	seq.s32 s10, $0x1;
	s10 =	sld [smem:$0x3FB9]  }
0x3d: {  	_ =	shalt  }
0x3e: {  	_ =	shalt  }
0x3f: {  	_ =	shalt  }
0x40: {  	_ =	shalt  }
0x41: {  	_ =	shalt  }
0x42: {  	_ =	shalt  }
0x43: {  	_ =	shalt  }
0x44: {  	_ =	shalt  }
0x45: {  	_ =	shalt  }
0x46: {  	_ =	shalt  }
0x47: {  	_ =	shalt  }
0x48: {  	_ =	shalt  }
0x49: {  	_ =	shalt  }
0x4a: {  	_ =	shalt  }
0x4b: {  	_ =	shalt  }
0x4c: {  	_ =	shalt  }
0x4d: {  	_ =	shalt  }
0x4e: {  	_ =	shalt  }
0x4f: {  	_ =	shalt  }
0x50: {  	_ =	shalt  }
0x51: {  	_ =	shalt  }
0x52: {  	_ =	shalt  }
0x53: {  	_ =	shalt  }
0x54: {  	_ =	shalt  }
0x55: {  	_ =	shalt  }
0x56: {  	_ =	shalt  }
0x57: {  	_ =	shalt  }
0x58: {  	_ =	shalt  }
0x59: {  	_ =	shalt  }
0x5a: {  	_ =	shalt  }
0x5b: {  	_ =	shalt  }
0x5c: {  	_ =	shalt  }
0x5d: {  	_ =	shalt  }
0x5e: {  	_ =	shalt  }
0x5f: {  	_ =	shalt  }
0x60: {  	_ =	shalt  }
0x61: {  	_ =	shalt  }
0x62: {  	_ =	shalt  }
0x63: {  	_ =	shalt  }
0x64: {  	_ =	shalt  }
0x65: {  	_ =	shalt  }
0x66: {  	_ =	shalt  }
0x67: {  	_ =	shalt  }
0x68: {  	_ =	shalt  }
0x69: {  	_ =	shalt  }
0x6a: {  	_ =	shalt  }
0x6b: {  	_ =	shalt  }
0x6c: {  	_ =	shalt  }
0x6d: {  	_ =	shalt  }
0x6e: {  	_ =	shalt  }
0x6f: {  	_ =	shalt  }
0x70: {  	_ =	shalt  }
0x71: {  	_ =	shalt  }
0x72: {  	_ =	shalt  }
0x73: {  	_ =	shalt  }
0x74: {  	_ =	shalt  }
0x75: {  	_ =	shalt  }
0x76: {  	_ =	shalt  }
0x77: {  	_ =	shalt  }
0x78: {  	_ =	shalt  }
0x79: {  	_ =	shalt  }
0x7a: {  	_ =	shalt  }
0x7b: {  	_ =	shalt  }
0x7c: {  	_ =	shalt  }
0x7d: {  	_ =	shalt  }
0x7e: {  	_ =	shalt  }
0x7f: {  	_ =	shalt  }
0x80: {  	_ =	shalt  }
0x81: {  	_ =	shalt  }
0x82: {  	_ =	shalt  }
0x83: {  	_ =	shalt  }
0x84: {  	_ =	shalt  }
0x85: {  	_ =	shalt  }
0x86: {  	_ =	shalt  }
0x87: {  	_ =	shalt  }
.Lfunc_end0:
.L_simem_size_0:
called_computation_lowered:
.L_overlay_start_0:
0x88: {  	s2 =	sld [smem:$0x3FD9]  }
0x89: {  	s3 =	sld [smem:$0x3FFE];
	_ =	sdelay $0x1  }
0x8a: {  	s1 =	srdreg.scid  }
0x8b: {  	s0 =	sand.u32 $0x1, s1  }
0x8c: {  	s17 =	sshll.u32 s0, $0xA;
	s2 =	sadd.s32 s3, s2  }
0x8d: {  	s2 =	sadd.s32 s2, s17  }
0x8e: {  	[smem:$0x3FC5] =	sst s2  }
0x8f: {  	_ = 	snop  }
0x90: {  	s2 =	sld [smem:$0x3FC7]  }
0x91: {  	s18 =	sld [smem:$0x3FD0];
	(tm) =	ssettm $0x1  }
0x92: {  	s4 =	sld [smem:$0x3FFB];
	_ =	sdelay $0x3  }
0x93: {  	_ =	strace s4  }
0x94: {  	s4 =	sld [smem:$0x3FFC];
	_ =	sdelay $0x3  }
0x95: {  	_ =	strace s4  }
0x96: {  	s4 =	sld [smem:$0x3FFD];
	_ =	sdelay $0x3  }
0x97: {  	_ =	strace s4  }
0x98: {  	_ =	strace $0x8FFFFFFF  }
0x99: {  	s19 =	sld [smem:$0x3FDB];
	_ =	sdelay $0x1  }
0x9a: {  	s5 =	simm.s32 $_scs_section_size  }
0x9b: {  	s6 =	simm.s32 $_size__tile_overlayer_lowered;
	s7 =	simm.s32 $_tile_overlayer_lowered  }
0x9c: {  	s22 =	simm.s32 $0x1BFF;
	s21 =	sshll.u32 s7, $0x1;
	s4 =	sadd.s32 s5, s19  }
0x9d: {  	s8 =	simm.s32 $0x0;
	s20 =	sshll.u32 s6, $0x1;
	s6 =	sadd.s32 s21, s4  }
0x9e: {  	[timem:s8], [sflag:s22] =	dma.local [hbm:s6], s20  }
0x9f: {  	_ =	swait.ge [sflag:s22], s20  }
0xa0: {  	s5 =	ssub.s32 $0x0, s20;
	[sflag:s22] =	ssyncset.done $0x0  }
0xa1: {  	[sflag:s22] =	ssyncadd.s32 s5;
	_ =	sdelay $0x1  }
0xa2: {  	s23 =	simm.s32 $0x1B8B  }
0xa3: {  	_ =	swait.ge [sflag:s23], $0x1  }
0xa4: {  	[sflag:s23] =	ssyncset.done $0x0  }
0xa5: {  	s25 =	simm.s32 $0x1B8E;
	s24 =	sld [smem:$0x3FFE];
	[sflag:s23] =	ssyncadd.s32 $0xFFFFFFFF  }
0xa6: {  	s26 =	simm.s32 $execute0_lowered;
	[smem:$0x3FD2] =	sst s25  }
0xa7: {  	s6 =	sshll.u32 s26, $0x1;
	_ =	strace $0x80000046;
	[dreg:$0x1] =	wrdreg $0xFFFFFFFF  }
0xa8: {  	s28 =	simm.s32 $_size_execute0_lowered;
	s4 =	sadd.s32 s4, s6;
	[dreg:$0x0] =	wrdreg $0x0  }
0xa9: {  	s6 =	sshll.u32 s28, $0x1;
	[dreg:$0x2] =	wrdreg s4  }
0xaa: {  	[dreg:$0x3] =	wrdreg s6  }
0xab: {  	[dreg:$0x4] =	wrdreg $0xC0  }
0xac: {  	_ =	task [dreg:s8], $0x5FFFF  }
0xad: {  	[dreg:$0x1] =	wrdreg $0xFFFFFFFF  }
0xae: {  	[dreg:$0x0] =	wrdreg $0x60  }
0xaf: {  	[dreg:$0x2] =	wrdreg s24  }
0xb0: {  	[dreg:$0x3] =	wrdreg s2  }
0xb1: {  	[dreg:$0x4] =	wrdreg s18  }
0xb2: {  	[dreg:$0x5] =	wrdreg $0x9  }
0xb3: {  	_ =	task.clear_ibuf [dreg:s8], $0x6FFFF;
	_ =	strace $0x90000046  }
0xb4: {  	s29 =	simm.s32 $0x9;
	_ =	strace $0x80000048  }
0xb5: {  	_ =	swait.ge [sflag:s29], $0x1  }
0xb6: {  	[sflag:s29] =	ssyncadd.s32 $0xFFFFFFFF  }
0xb7: {  	_ =	strace $0x90000048  }
0xb8: {  	_ =	sfence  }
0xb9: {  	s30 =	sld [smem:$0x0];
	_ =	sdelay $0x2  }
0xba: {  	s31 =	sshll.u32 s1, $0xD;
	s1 =	sshrl.u32 s1, $0x2  }
0xbb: {  	s3 =	sand.u32 $0x4000, s31;
	s1 =	sadd.s32 s1, s30  }
0xbc: {  	s0 =	sor.u32 s3, s0;
	s1 =	sshll.u32 s1, $0x11  }
0xbd: {  	s0 =	sor.u32 s1, s0  }
0xbe: {  	s0 =	sadd.s32 $0x8F2B, s0  }
0xbf: {  	[sflag:s0] =	ssyncadd.remote.s32 $0x1  }
0xc0: {  	_ =	sfence.sel $0xFFFF  }
0xc1: {  	[dreg:$0x0] =	wrdreg $0xFFFFFFFF;
	(pc) =	sbr.abs _section_cstart, $3  }
0xc2: {  	[dreg:$0x1] =	wrdreg $0xFFFFFFFF  }
0xc3: {  	_ =	task.clear_ibuf [dreg:s8], $0x2FFFF;
	_ =	strace $0x9FFFFFFF  }
0xc4: {  	(tm) =	ssettm $0x7FFFFFFF  }
0xc5: {  	_ =	shalt  }
tec
execute0_lowered:
.L_overlay_start_1:
0x0: {  	(tag) =	ssettag $0x1  }
0x1: {  	s1 =	rddreg [dreg:$0x0]  }
0x2: {  	s2 =	srdreg.scid;
	s3 =	rddreg [dreg:$0x1]  }
0x3: {  	s0 =	stileid.u32;
	s5 =	rddreg [dreg:$0x2]  }
0x4: {  	s18 =	simm.s32 $0x880;
	s19 =	simm.s32 $0x1080;
	s20 =	simm.s32 $0x1880  }
0x5: {  	s21 =	simm.s32 $0x2080;
	s23 =	simm.s32 $0x2880;
	s24 =	simm.s32 $0x3080  }
0x6: {  	s25 =	simm.s32 $0x3880;
	s26 =	simm.s32 $0x4080;
	s9 =	simm.s32 $0x5080  }
0x7: {  	s10 =	simm.s32 $0x5880;
	s4 =	sand.u32 $0x1, s2;
	s2 =	simm.s32 $0x0  }
0x8: {  	s11 =	simm.s32 $0x6080;
	s12 =	simm.s32 $0x6880;
	[smem:$0x7FF] =	sst s2  }
0x9: {  	s13 =	simm.s32 $0x7080;
	_ =	strace $0x80000047;
	[dreg:$0x6] =	wrdreg s18  }
0xa: {  	s14 =	simm.s32 $0x7880;
	s15 =	simm.s32 $0x8080;
	[dreg:$0x7] =	wrdreg s19  }
0xb: {  	s16 =	simm.s32 $0x8880;
	s28 =	simm.s32 $0xE080;
	[dreg:$0x8] =	wrdreg s20  }
0xc: {  	s29 =	simm.s32 $0xE880;
	s30 =	simm.s32 $0xF080;
	[dreg:$0x9] =	wrdreg s21  }
0xd: {  	s31 =	simm.s32 $0xF880;
	s6 =	sshll.u32 s0, $0x8;
	[dreg:$0xa] =	wrdreg s23  }
0xe: {  	s7 =	sshll.u32 s4, $0x7;
	s4 =	ssub.s32 $0x2, s4;
	[dreg:$0xb] =	wrdreg s24  }
0xf: {  	s6 =	sor.u32 s7, s6;
	s22 =	sshrl.u32 s4, $0x1;
	[dreg:$0xc] =	wrdreg s25  }
0x10: {  	[dreg:$0xd] =	wrdreg s26;
	s18 =	simm.s32 $0x9880;
	s19 =	simm.s32 $0xA080  }
0x11: {  	s20 =	simm.s32 $0xA880;
	s21 =	simm.s32 $0xB080;
	s23 =	simm.s32 $0xC080  }
0x12: {  	s24 =	simm.s32 $0xC880;
	s25 =	simm.s32 $0xD080;
	s7 =	sshrl.u32 s6, $0x3  }
0x13: {  	s26 =	simm.s32 $0xD880;
	s6 =	sshll.u32 s6, $0x6;
	s3 =	sadd.s32 s3, s7  }
0x14: {  	s17 =	sadd.s32 s5, s6;
	s6 =	ssub.s32 s4, s22;
	s4 =	sadd.s32 $0x900, s1  }
0x15: {  	v2 =	vlaneseq.u32;
	s7 =	simm.s32 $0x80;
	s22 =	simm.s32 $0xB880;
	[dreg:$0x4] =	wrdreg s3  }
0x16: {  	vm0 =	vmmov $0xffff;
	v1 =	vshrl.u32 v2, $0x3;
	[dreg:$0x5] =	wrdreg s17;
	s3 =	sadd.s32 $0x800, s1;
	s5 =	smax.u32 s6, $0x1  }
0x17: {  	v0 =	vand.u32 $0x7, v2;
	v2 =	vor.u32 $0x8, v2;
	v1 =	vmul.u32 $0x8, v1;
	s6 =	simm.s32 $0x2;
	s17 =	simm.s32 $0x9080;
	s1 =	simm.s32 $0x1  }
.LBB2_1:
0x18: {  	s0 =	rddreg [dreg:$0x4]  }
0x19: {  	[tilespmem:s2], [sflag:$0x2] =	stream.linear.gather [hbm4b:s0+s2], $0x80, $0x38;
	[tilespmem:$0x10080] =	vst v63  }
0x1a: {  	_ =	swait.ge [sflag:s6], $0x80  }
0x1b: {  	[sflag:s6] =	ssyncset.done $0x0  }
0x1c: {  	[sflag:s6] =	ssyncadd.s32 $0xFFFFFF80  }
0x1d: {  	v3 =	vld [tilespmem:$0x0];
	_ =	sdelay $0x4  }
0x1e: {  	v4 =	vshll.u32 v3, $0x2  }
0x1f: {  	v3 =	vand.u32 $0x7, v3;
	v4 =	vand.u32 $0xFFFFFFE0, v4  }
0x20: {  	v3 =	vor.u32 v3, v4  }
0x21: {  	v4 =	vperm.xlane v3, v0;
	_ =	sdelay $0x1  }
0x22: {  	v4 =	vadd.s32 v1, v4;
	_ =	sdelay $0x1  }
0x23: {  	v3 =	vperm.xlane v3, v2;
	_ =	sdelay $0x1  }
0x24: {  	v3 =	vadd.s32 v1, v3  }
0x25: {  	[tilespmem:s7], [sflag:$0x1] =	stream.indirect_vreg.gather [hbm4b:s3+s2], $0x80, v4, vm0, $0xb8;
	[tilespmem:$0x10080] =	vst v63  }
0x26: {  	s0 =	rddreg [dreg:$0x6]  }
0x27: {  	[tilespmem:s0], [sflag:$0x1] =	stream.indirect_vreg.gather [hbm4b:s4+s2], $0x80, v4, vm0, $0xb8;
	[tilespmem:$0x10080] =	vst v63  }
0x28: {  	s8 =	rddreg [dreg:$0x7]  }
0x29: {  	[tilespmem:s8], [sflag:$0x1] =	stream.indirect_vreg.gather [hbm4b:s3+s2], $0x80, v3, vm0, $0xb8;
	[tilespmem:$0x10080] =	vst v63  }
0x2a: {  	s0 =	rddreg [dreg:$0x8]  }
0x2b: {  	[tilespmem:s0], [sflag:$0x1] =	stream.indirect_vreg.gather [hbm4b:s4+s2], $0x80, v3, vm0, $0xb8;
	[tilespmem:$0x10080] =	vst v63  }
0x2c: {  	v3 =	vld [tilespmem:$0x10];
	_ =	sdelay $0x4  }
0x2d: {  	v57 =	vshll.u32 v3, $0x2  }
0x2e: {  	v3 =	vand.u32 $0x7, v3;
	v4 =	vand.u32 $0xFFFFFFE0, v57  }
0x2f: {  	v3 =	vor.u32 v3, v4  }
0x30: {  	v4 =	vperm.xlane v3, v0;
	_ =	sdelay $0x1  }
0x31: {  	v4 =	vadd.s32 v1, v4;
	_ =	sdelay $0x1  }
0x32: {  	v3 =	vperm.xlane v3, v2;
	_ =	sdelay $0x1  }
0x33: {  	s0 =	rddreg [dreg:$0x9];
	v3 =	vadd.s32 v1, v3  }
0x34: {  	[tilespmem:s0], [sflag:$0x1] =	stream.indirect_vreg.gather [hbm4b:s3+s2], $0x80, v4, vm0, $0xb8;
	[tilespmem:$0x10080] =	vst v63  }
0x35: {  	s8 =	rddreg [dreg:$0xa]  }
0x36: {  	[tilespmem:s8], [sflag:$0x1] =	stream.indirect_vreg.gather [hbm4b:s4+s2], $0x80, v4, vm0, $0xb8;
	[tilespmem:$0x10080] =	vst v63  }
0x37: {  	s0 =	rddreg [dreg:$0xb]  }
0x38: {  	[tilespmem:s0], [sflag:$0x1] =	stream.indirect_vreg.gather [hbm4b:s3+s2], $0x80, v3, vm0, $0xb8;
	[tilespmem:$0x10080] =	vst v63  }
0x39: {  	s8 =	rddreg [dreg:$0xc]  }
0x3a: {  	[tilespmem:s8], [sflag:$0x1] =	stream.indirect_vreg.gather [hbm4b:s4+s2], $0x80, v3, vm0, $0xb8;
	[tilespmem:$0x10080] =	vst v63  }
0x3b: {  	v3 =	vld [tilespmem:$0x20];
	_ =	sdelay $0x4  }
0x3c: {  	v58 =	vshll.u32 v3, $0x2  }
0x3d: {  	v3 =	vand.u32 $0x7, v3;
	v4 =	vand.u32 $0xFFFFFFE0, v58  }
0x3e: {  	v3 =	vor.u32 v3, v4  }
0x3f: {  	v4 =	vperm.xlane v3, v0;
	_ =	sdelay $0x1  }
0x40: {  	v4 =	vadd.s32 v1, v4;
	_ =	sdelay $0x1  }
0x41: {  	v3 =	vperm.xlane v3, v2;
	_ =	sdelay $0x1  }
0x42: {  	s8 =	rddreg [dreg:$0xd];
	v3 =	vadd.s32 v1, v3  }
0x43: {  	[tilespmem:s8], [sflag:$0x1] =	stream.indirect_vreg.gather [hbm4b:s3+s2], $0x80, v4, vm0, $0xb8;
	[tilespmem:$0x10080] =	vst v63  }
0x44: {  	s8 =	simm.s32 $0x4880  }
0x45: {  	[tilespmem:s8], [sflag:$0x1] =	stream.indirect_vreg.gather [hbm4b:s4+s2], $0x80, v4, vm0, $0xb8;
	[tilespmem:$0x10080] =	vst v63  }
0x46: {  	_ = 	snop  }
0x47: {  	[tilespmem:s9], [sflag:$0x1] =	stream.indirect_vreg.gather [hbm4b:s3+s2], $0x80, v3, vm0, $0xb8;
	[tilespmem:$0x10080] =	vst v63  }
0x48: {  	_ = 	snop  }
0x49: {  	[tilespmem:s10], [sflag:$0x1] =	stream.indirect_vreg.gather [hbm4b:s4+s2], $0x80, v3, vm0, $0xb8;
	[tilespmem:$0x10080] =	vst v63  }
0x4a: {  	v3 =	vld [tilespmem:$0x30];
	_ =	sdelay $0x4  }
0x4b: {  	v59 =	vshll.u32 v3, $0x2  }
0x4c: {  	v3 =	vand.u32 $0x7, v3;
	v4 =	vand.u32 $0xFFFFFFE0, v59  }
0x4d: {  	v3 =	vor.u32 v3, v4  }
0x4e: {  	v4 =	vperm.xlane v3, v0;
	_ =	sdelay $0x1  }
0x4f: {  	v4 =	vadd.s32 v1, v4;
	_ =	sdelay $0x1  }
0x50: {  	v3 =	vperm.xlane v3, v2;
	_ =	sdelay $0x1  }
0x51: {  	v3 =	vadd.s32 v1, v3  }
0x52: {  	[tilespmem:s11], [sflag:$0x1] =	stream.indirect_vreg.gather [hbm4b:s3+s2], $0x80, v4, vm0, $0xb8;
	[tilespmem:$0x10080] =	vst v63  }
0x53: {  	_ = 	snop  }
0x54: {  	[tilespmem:s12], [sflag:$0x1] =	stream.indirect_vreg.gather [hbm4b:s4+s2], $0x80, v4, vm0, $0xb8;
	[tilespmem:$0x10080] =	vst v63  }
0x55: {  	_ = 	snop  }
0x56: {  	[tilespmem:s13], [sflag:$0x1] =	stream.indirect_vreg.gather [hbm4b:s3+s2], $0x80, v3, vm0, $0xb8;
	[tilespmem:$0x10080] =	vst v63  }
0x57: {  	_ = 	snop  }
0x58: {  	[tilespmem:s14], [sflag:$0x1] =	stream.indirect_vreg.gather [hbm4b:s4+s2], $0x80, v3, vm0, $0xb8;
	[tilespmem:$0x10080] =	vst v63  }
0x59: {  	v3 =	vld [tilespmem:$0x40];
	_ =	sdelay $0x4  }
0x5a: {  	v60 =	vshll.u32 v3, $0x2  }
0x5b: {  	v3 =	vand.u32 $0x7, v3;
	v4 =	vand.u32 $0xFFFFFFE0, v60  }
0x5c: {  	v3 =	vor.u32 v3, v4  }
0x5d: {  	v4 =	vperm.xlane v3, v0;
	_ =	sdelay $0x1  }
0x5e: {  	v4 =	vadd.s32 v1, v4;
	_ =	sdelay $0x1  }
0x5f: {  	v3 =	vperm.xlane v3, v2;
	_ =	sdelay $0x1  }
0x60: {  	v3 =	vadd.s32 v1, v3  }
0x61: {  	[tilespmem:s15], [sflag:$0x1] =	stream.indirect_vreg.gather [hbm4b:s3+s2], $0x80, v4, vm0, $0xb8;
	[tilespmem:$0x10080] =	vst v63  }
0x62: {  	_ = 	snop  }
0x63: {  	[tilespmem:s16], [sflag:$0x1] =	stream.indirect_vreg.gather [hbm4b:s4+s2], $0x80, v4, vm0, $0xb8;
	[tilespmem:$0x10080] =	vst v63  }
0x64: {  	_ = 	snop  }
0x65: {  	[tilespmem:s17], [sflag:$0x1] =	stream.indirect_vreg.gather [hbm4b:s3+s2], $0x80, v3, vm0, $0xb8;
	[tilespmem:$0x10080] =	vst v63  }
0x66: {  	_ = 	snop  }
0x67: {  	[tilespmem:s18], [sflag:$0x1] =	stream.indirect_vreg.gather [hbm4b:s4+s2], $0x80, v3, vm0, $0xb8;
	[tilespmem:$0x10080] =	vst v63  }
0x68: {  	v3 =	vld [tilespmem:$0x50];
	_ =	sdelay $0x4  }
0x69: {  	v61 =	vshll.u32 v3, $0x2  }
0x6a: {  	v3 =	vand.u32 $0x7, v3;
	v4 =	vand.u32 $0xFFFFFFE0, v61  }
0x6b: {  	v3 =	vor.u32 v3, v4  }
0x6c: {  	v4 =	vperm.xlane v3, v0;
	_ =	sdelay $0x1  }
0x6d: {  	v4 =	vadd.s32 v1, v4;
	_ =	sdelay $0x1  }
0x6e: {  	v3 =	vperm.xlane v3, v2;
	_ =	sdelay $0x1  }
0x6f: {  	v3 =	vadd.s32 v1, v3  }
0x70: {  	[tilespmem:s19], [sflag:$0x1] =	stream.indirect_vreg.gather [hbm4b:s3+s2], $0x80, v4, vm0, $0xb8;
	[tilespmem:$0x10080] =	vst v63  }
0x71: {  	_ = 	snop  }
0x72: {  	[tilespmem:s20], [sflag:$0x1] =	stream.indirect_vreg.gather [hbm4b:s4+s2], $0x80, v4, vm0, $0xb8;
	[tilespmem:$0x10080] =	vst v63  }
0x73: {  	_ = 	snop  }
0x74: {  	[tilespmem:s21], [sflag:$0x1] =	stream.indirect_vreg.gather [hbm4b:s3+s2], $0x80, v3, vm0, $0xb8;
	[tilespmem:$0x10080] =	vst v63  }
0x75: {  	_ = 	snop  }
0x76: {  	[tilespmem:s22], [sflag:$0x1] =	stream.indirect_vreg.gather [hbm4b:s4+s2], $0x80, v3, vm0, $0xb8;
	[tilespmem:$0x10080] =	vst v63  }
0x77: {  	v3 =	vld [tilespmem:$0x60];
	_ =	sdelay $0x4  }
0x78: {  	v62 =	vshll.u32 v3, $0x2  }
0x79: {  	v3 =	vand.u32 $0x7, v3;
	v4 =	vand.u32 $0xFFFFFFE0, v62  }
0x7a: {  	v3 =	vor.u32 v3, v4  }
0x7b: {  	v4 =	vperm.xlane v3, v0;
	_ =	sdelay $0x1  }
0x7c: {  	v4 =	vadd.s32 v1, v4;
	_ =	sdelay $0x1  }
0x7d: {  	v3 =	vperm.xlane v3, v2;
	_ =	sdelay $0x1  }
0x7e: {  	v3 =	vadd.s32 v1, v3  }
0x7f: {  	[tilespmem:s23], [sflag:$0x1] =	stream.indirect_vreg.gather [hbm4b:s3+s2], $0x80, v4, vm0, $0xb8;
	[tilespmem:$0x10080] =	vst v63  }
0x80: {  	_ = 	snop  }
0x81: {  	[tilespmem:s24], [sflag:$0x1] =	stream.indirect_vreg.gather [hbm4b:s4+s2], $0x80, v4, vm0, $0xb8;
	[tilespmem:$0x10080] =	vst v63  }
0x82: {  	_ = 	snop  }
0x83: {  	[tilespmem:s25], [sflag:$0x1] =	stream.indirect_vreg.gather [hbm4b:s3+s2], $0x80, v3, vm0, $0xb8;
	[tilespmem:$0x10080] =	vst v63  }
0x84: {  	_ = 	snop  }
0x85: {  	[tilespmem:s26], [sflag:$0x1] =	stream.indirect_vreg.gather [hbm4b:s4+s2], $0x80, v3, vm0, $0xb8;
	[tilespmem:$0x10080] =	vst v63  }
0x86: {  	v3 =	vld [tilespmem:$0x70];
	_ =	sdelay $0x4  }
0x87: {  	v63 =	vshll.u32 v3, $0x2  }
0x88: {  	v3 =	vand.u32 $0x7, v3;
	v4 =	vand.u32 $0xFFFFFFE0, v63  }
0x89: {  	v3 =	vor.u32 v3, v4  }
0x8a: {  	v4 =	vperm.xlane v3, v0;
	_ =	sdelay $0x1  }
0x8b: {  	v4 =	vadd.s32 v1, v4;
	_ =	sdelay $0x1  }
0x8c: {  	v3 =	vperm.xlane v3, v2;
	_ =	sdelay $0x1  }
0x8d: {  	v3 =	vadd.s32 v1, v3  }
0x8e: {  	[tilespmem:s28], [sflag:$0x1] =	stream.indirect_vreg.gather [hbm4b:s3+s2], $0x80, v4, vm0, $0xb8;
	[tilespmem:$0x10080] =	vst v63  }
0x8f: {  	_ = 	snop  }
0x90: {  	[tilespmem:s29], [sflag:$0x1] =	stream.indirect_vreg.gather [hbm4b:s4+s2], $0x80, v4, vm0, $0xb8;
	[tilespmem:$0x10080] =	vst v63  }
0x91: {  	_ = 	snop  }
0x92: {  	[tilespmem:s30], [sflag:$0x1] =	stream.indirect_vreg.gather [hbm4b:s3+s2], $0x80, v3, vm0, $0xb8;
	[tilespmem:$0x10080] =	vst v63  }
0x93: {  	_ = 	snop  }
0x94: {  	[tilespmem:s31], [sflag:$0x1] =	stream.indirect_vreg.gather [hbm4b:s4+s2], $0x80, v3, vm0, $0xb8;
	[tilespmem:$0x10080] =	vst v63  }
0x95: {  	_ =	swait.ge [sflag:s1], $0x10000  }
0x96: {  	p0 =	sne.s32 s5, $0x1;
	[sflag:s1] =	ssyncset.done $0x0  }
.Ltmp0:
0x97: {  	s8 =	rddreg [dreg:$0x5];
	[sflag:s1] =	ssyncadd.s32 $0xFFFF0000;
	(pc) =	sbr.rel @p0 .LBB2_1-.Ltmp0, $4  }
0x98: {  	[hbm4b:s8+s2] =	stream.linear.scatter [tilespmem:s7], [sflag:$0x2], $0x10000, $0x38;
	[tilespmem:$0x10080] =	vst v63  }
0x99: {  	_ =	swait.ge [sflag:s6], $0x10000  }
0x9a: {  	[sflag:s6] =	ssyncset.done $0x0  }
0x9b: {  	s5 =	sadd.s32 $0xFFFFFFFF, s5;
	[sflag:s6] =	ssyncadd.s32 $0xFFFF0000  }
0x9c: {  	_ =	sfence.sel $0x180000  }
0x9d: {  	[bflag:$0x0] =	sbarrier.arrive $0xFFFF  }
0x9e: {  	_ =	strace $0x90000047  }
0x9f: {  	s0 =	stileid.u32;
	[bflag:$0x2] =	sbarrier.arrive $0xFFFF  }
0xa0: {  	p0 =	sne.s32 s0, $0x0;
	s0 =	rddreg [dreg:$0x3]  }
0xa1: {  	s0 =	sadd.s32 @!p0 $0x100000, s0  }
0xa2: {  	[sflag:s0] =	ssyncadd.tile.s32 @!p0 $0x1;
	_ =	shalt  }
.Lfunc_end2:
_tile_overlayer_lowered:
.L_overlay_start_2:
0xa3: {  	(tag) =	ssettag $0x2  }
0xa4: {  	s0 =	rddreg [dreg:$0x0];
	s2 =	stileid.u32  }
0xa5: {  	s1 =	rddreg [dreg:$0x1];
	p0 =	sne.s32 s2, $0x0  }
0xa6: {  	s3 =	rddreg [dreg:$0x2];
	[bflag:$0x3] =	sbarrier.arrive $0xFFFF;
	s2 =	simm.s32 @!p0 $0x1C02  }
0xa7: {  	[timem:s3], [sflag:s2] =	dma.local @!p0 [hbm:s0], s1  }
0xa8: {  	s0 =	simm.s32 @!p0 $0x2  }
0xa9: {  	_ =	swait.ge @!p0 [sflag:s0], s1  }
0xaa: {  	s1 =	ssub.s32 @!p0 $0x0, s1;
	[sflag:s0] =	ssyncset.done @!p0 $0x0  }
0xab: {  	[sflag:s0] =	ssyncadd.s32 @!p0 s1  }
0xac: {  	[bflag:$0x3] =	sbarrier.arrive $0xFFFF  }
0xad: {  	_ =	shalt  }

</sc_bundles>
